<compile_context>
chip_gen: v7x
topology: tpu7x:2x2x1
jax: 0.10.2.dev20260603
libtpu: 0.0.44.dev20260713+nightly
codegen_flags: <defaults>
</compile_context>

<pallas_src>
import functools

import jax
import jax.numpy as jnp
from jax import lax
from jax.experimental import pallas as pl
from jax.experimental.pallas import tpu as pltpu
from jax.experimental.pallas import tpu_sc as plsc


def _vq_body(x_ref, cb_ref, loss_ref, idx_ref, ppl_ref, oh_ref,
             counts_ref, loss_acc_ref):
    b = pl.program_id(0)
    nb = pl.num_programs(0)
    x = x_ref[0]
    cb = cb_ref[...]

    cxm = jax.lax.dot_general(cb * -2.0, x, (((1,), (0,)), ((), ())),
                              preferred_element_type=jnp.float32)
    x2 = jnp.sum(x * x, axis=0, keepdims=True)
    c2 = jnp.sum(cb * cb, axis=1, keepdims=True)
    dist = (x2 + c2) + cxm

    K, N = dist.shape
    idx = jnp.argmin(dist, axis=0)
    idx_ref[0, 0] = idx
    kio = jax.lax.broadcasted_iota(jnp.int32, (K, N), 0)
    oh = (kio == idx[None, :]).astype(jnp.float32)
    oh_ref[0] = oh

    q = jax.lax.dot_general(cb, oh, (((0,), (0,)), ((), ())),
                            preferred_element_type=jnp.float32)
    dif = q - x
    part = jnp.sum(dif * dif)
    cnt = jnp.sum(oh, axis=1, keepdims=True)

    @pl.when(b == 0)
    def _():
        loss_acc_ref[0, 0] = part
        counts_ref[...] = cnt

    @pl.when(b > 0)
    def _():
        loss_acc_ref[0, 0] = loss_acc_ref[0, 0] + part
        counts_ref[...] = counts_ref[...] + cnt

    @pl.when(b == nb - 1)
    def _():
        d = x_ref.shape[1]
        total_elems = nb * N * d
        loss_ref[0, 0] = loss_acc_ref[0, 0] * (0.25 / total_elems)
        p = counts_ref[...] * (1.0 / (nb * N))
        ent = jnp.sum(p * jnp.log(p + 1e-10))
        ppl_ref[0, 0] = jnp.exp(-ent)


def _sc_gather(B, D, N, K):
    chunk = 128
    nch = N // chunk
    mesh = plsc.VectorSubcoreMesh(core_axis_name="c", subcore_axis_name="s")

    @functools.partial(
        pl.kernel, mesh=mesh,
        compiler_params=pltpu.CompilerParams(
            needs_layout_passes=False, use_tc_tiling_on_sc=False),
        out_type=jax.ShapeDtypeStruct((B, D, N), jnp.float32),
        scratch_types=[
            pltpu.VMEM((N,), jnp.int32),
            pltpu.VMEM((chunk, D), jnp.float32),
            pltpu.VMEM((D, chunk), jnp.float32),
            pltpu.SemaphoreType.DMA,
        ],
    )
    def k(cb_hbm, idx_hbm, out_hbm, idx_v, rows_v, out_v, sem):
        wid = lax.axis_index("s") * 2 + lax.axis_index("c")
        pltpu.sync_copy(idx_hbm.at[wid, 0], idx_v)
        lanes = lax.broadcasted_iota(jnp.int32, (16,), 0)

        def hbody(h, carry):
            pltpu.async_copy(
                cb_hbm.at[idx_v.at[pl.ds(h * chunk, chunk)]], rows_v, sem
            ).wait()

            def dbody(d, carry2):
                dv = jnp.full((16,), d, jnp.int32)
                for g in range(chunk // 16):
                    tok = lanes + (g * 16)
                    out_v[d, pl.ds(g * 16, 16)] = plsc.load_gather(
                        rows_v, [tok, dv])
                return carry2
            lax.fori_loop(0, D, dbody, 0)
            pltpu.sync_copy(out_v, out_hbm.at[wid, :, pl.ds(h * chunk, chunk)])
            return carry
        lax.fori_loop(0, nch, hbody, 0)

    return k


def kernel(inputs, codebook):
    B, D, N = inputs.shape
    K = codebook.shape[0]
    loss2, idx3, ppl2, oh = pl.pallas_call(
        _vq_body,
        grid=(B,),
        in_specs=[
            pl.BlockSpec((1, D, N), lambda b: (b, 0, 0)),
            pl.BlockSpec((K, D), lambda b: (0, 0)),
        ],
        out_specs=[
            pl.BlockSpec(memory_space=pltpu.SMEM),
            pl.BlockSpec((1, 1, N), lambda b: (b, 0, 0)),
            pl.BlockSpec(memory_space=pltpu.SMEM),
            pl.BlockSpec((1, K, N), lambda b: (b, 0, 0)),
        ],
        out_shape=[
            jax.ShapeDtypeStruct((1, 1), jnp.float32),
            jax.ShapeDtypeStruct((B, 1, N), jnp.int32),
            jax.ShapeDtypeStruct((1, 1), jnp.float32),
            jax.ShapeDtypeStruct((B, K, N), jnp.float32),
        ],
        scratch_shapes=[
            pltpu.VMEM((K, 1), jnp.float32),
            pltpu.SMEM((1, 1), jnp.float32),
        ],
    )(inputs, codebook)
    q = _sc_gather(B, D, N, K)(codebook, idx3)
    return (loss2[0, 0], q, ppl2[0, 0], oh)

# --- scband reference (transcript-rebuilt; emitter-appended) ---
"""Pipeline reference for scband-vqvaemodel-24902220382360 (READ-ONLY COPY).

The authoritative reference and input builder live on the scoring server;
editing this copy changes nothing except your own understanding.
"""

import jax, jax.numpy as jnp
import numpy as np


def setup_inputs(seed: int = 0) -> dict:
    key = jax.random.key(seed)
    k1, k2 = jax.random.split(key)
    # forward input: B=32, C=embedding_dim=64, N=1024 latents (BC(N) layout)
    inputs = jax.random.normal(k1, (32, 64, 1024), dtype=jnp.float32)
    # learned codebook (quantizer._embedding.weight): [n_embeddings=1024, embedding_dim=64]
    codebook = jax.random.normal(k2, (1024, 64), dtype=jnp.float32)
    return {"inputs": inputs, "codebook": codebook}


def reference(inputs, codebook):
    # VectorQuantizerEMA.forward, eval mode (no EMA update), codebook_mask=None.
    # inputs: [B, C, N] -> permute to [B, N, C]
    x = jnp.transpose(inputs, (0, 2, 1))
    B, N, D = x.shape
    flat_input = x.reshape(-1, D)
    # squared L2 distances to every codebook entry
    distances = (jnp.sum(flat_input ** 2, axis=1, keepdims=True)
                 + jnp.sum(codebook ** 2, axis=1)
                 - 2.0 * jnp.matmul(flat_input, codebook.T))
    # max_one_hot(-distances) with straight-through grads
    logits = -distances
    idx = jnp.argmax(logits, axis=-1)
    oh = jax.nn.one_hot(idx, codebook.shape[0], dtype=logits.dtype)
    flat_oh_encodings = oh + logits - jax.lax.stop_gradient(logits)
    # rearrange '(b n) d -> b d n'
    oh_encodings = jnp.transpose(flat_oh_encodings.reshape(B, N, -1), (0, 2, 1))
    # quantized lookup under no_grad
    quantized = jax.lax.stop_gradient(jnp.matmul(flat_oh_encodings, codebook)).reshape(B, N, D)
    # commitment loss
    e_latent_loss = jnp.mean((quantized - x) ** 2)
    loss = 0.25 * e_latent_loss
    # straight-through estimator for quantized output
    quantized_st = x + jax.lax.stop_gradient(quantized - x)
    # perplexity
    avg_probs = jnp.mean(flat_oh_encodings, axis=0)
    perplexity = jnp.exp(-jnp.sum(avg_probs * jnp.log(avg_probs + 1e-10)))
    # input was 3-D -> return BCN layout
    return (loss, jnp.transpose(quantized_st, (0, 2, 1)), perplexity, oh_encodings)

if __name__ == "__main__":
    import jax
    _d = setup_inputs()
    print(jax.jit(kernel)(*tuple(_d.values())))

</pallas_src>

<mosaic_0001>
#map = affine_map<(d0, d1) -> (0, 0)>
#map1 = affine_map<(d0, d1) -> (0, 0, 0)>
module attributes {stable_mosaic.version = 14 : i64} {
  func.func @k(%arg0: i32, %arg1: i32, %arg2: memref<1024x64xf32, #tpu.memory_space<hbm>>, %arg3: memref<32x1x1024xi32, #tpu.memory_space<hbm>>, %arg4: memref<32x64x1024xf32, #tpu.memory_space<hbm>>, %arg5: memref<1024xi32, #tpu.memory_space<vmem>>, %arg6: memref<128x64xf32, #tpu.memory_space<vmem>>, %arg7: memref<64x128xf32, #tpu.memory_space<vmem>>, %arg8: memref<!tpu.dma_semaphore, #tpu.memory_space<semaphore_mem>>) attributes {dimension_semantics = [#tpu.dimension_semantics<core_parallel>, #tpu.dimension_semantics<subcore_parallel>], iteration_bounds = array<i64: 2, 16>, scalar_prefetch = 0 : i64, scratch_operands = 4 : i64, tpu.core_type = #tpu.core_type<sc_vector_subcore>, window_params = [{transform_indices = #map}, {transform_indices = #map1}, {transform_indices = #map1}]} {
    %mul3A = arith.constant 2 : i32
    %mul3A_0 = arith.muli %arg1, %mul3A : i32
    %add3A = arith.addi %mul3A_0, %arg0 : i32
    %run_scoped3A = arith.constant 0 : i32
    "tpu.region"() ({
      %run_scoped3A_6 = tpu.sem_alloc : memref<!tpu.dma_semaphore, #tpu.memory_space<semaphore_mem>>
      %dma_start3A = arith.constant 0 : i32
      %dma_start3A_7 = tpu.memref_slice %arg3[%add3A, %run_scoped3A, %dma_start3A] : memref<32x1x1024xi32, #tpu.memory_space<hbm>> -> memref<1x1x1024xi32, #tpu.memory_space<hbm>>
      %dma_start3A_8 = tpu.memref_squeeze %dma_start3A_7 : memref<1x1x1024xi32, #tpu.memory_space<hbm>> -> memref<1024xi32, #tpu.memory_space<hbm>>
      %dma_start3A_9 = arith.constant 0 : i32
      %dma_start3A_10 = tpu.memref_slice %arg3[%add3A, %run_scoped3A, %dma_start3A_9] : memref<32x1x1024xi32, #tpu.memory_space<hbm>> -> memref<1x1x1024xi32, #tpu.memory_space<hbm>>
      %dma_start3A_11 = tpu.memref_squeeze %dma_start3A_10 : memref<1x1x1024xi32, #tpu.memory_space<hbm>> -> memref<1024xi32, #tpu.memory_space<hbm>>
      tpu.enqueue_dma source(%dma_start3A_11 : memref<1024xi32, #tpu.memory_space<hbm>>) target(%arg5 : memref<1024xi32, #tpu.memory_space<vmem>>) target_semaphore(%run_scoped3A_6 : memref<!tpu.dma_semaphore, #tpu.memory_space<semaphore_mem>>)
      %dma_wait3A = arith.constant 0 : i32
      %dma_wait3A_12 = tpu.memref_slice %arg3[%add3A, %run_scoped3A, %dma_wait3A] : memref<32x1x1024xi32, #tpu.memory_space<hbm>> -> memref<1x1x1024xi32, #tpu.memory_space<hbm>>
      %dma_wait3A_13 = tpu.memref_squeeze %dma_wait3A_12 : memref<1x1x1024xi32, #tpu.memory_space<hbm>> -> memref<1024xi32, #tpu.memory_space<hbm>>
      %dma_wait3A_14 = arith.constant 0 : i32
      %dma_wait3A_15 = tpu.memref_slice %arg3[%add3A, %run_scoped3A, %dma_wait3A_14] : memref<32x1x1024xi32, #tpu.memory_space<hbm>> -> memref<1x1x1024xi32, #tpu.memory_space<hbm>>
      %dma_wait3A_16 = tpu.memref_squeeze %dma_wait3A_15 : memref<1x1x1024xi32, #tpu.memory_space<hbm>> -> memref<1024xi32, #tpu.memory_space<hbm>>
      tpu.wait_dma2 semaphore(%run_scoped3A_6 : memref<!tpu.dma_semaphore, #tpu.memory_space<semaphore_mem>>) src(%dma_wait3A_16 : memref<1024xi32, #tpu.memory_space<hbm>>) dst(%arg5 : memref<1024xi32, #tpu.memory_space<vmem>>)
      tpu.yield
    }) : () -> ()
    %iota3A = tpu.iota {dimensions = array<i32: 0>} : vector<16xi32>
    %scan3A = arith.constant 0 : i32
    %scan3A_1 = arith.constant 0 : i32
    %scan3A_2 = arith.constant 8 : i32
    %scan3A_3 = arith.addi %scan3A_1, %scan3A_2 : i32
    %scan3A_4 = arith.constant 1 : i32
    scf.for %scan3A_6 = %scan3A_1 to %scan3A_3 step %scan3A_4  : i32 {
      %mul3A_7 = arith.constant 128 : i32
      %mul3A_8 = arith.muli %scan3A_6, %mul3A_7 : i32
      %dma_start3A = tpu.memref_slice %arg5[%mul3A_8] : memref<1024xi32, #tpu.memory_space<vmem>> -> memref<128xi32, #tpu.memory_space<vmem>>
      %dma_start3A_9 = arith.constant 0 : i32
      %dma_start3A_10 = arith.constant 0 : i32
      %dma_start3A_11 = tpu.memref_slice %arg2[%dma_start3A_9, %dma_start3A_10] : memref<1024x64xf32, #tpu.memory_space<hbm>> -> memref<1024x64xf32, #tpu.memory_space<hbm>>
      tpu.enqueue_indirect_dma source(%dma_start3A_11 : memref<1024x64xf32, #tpu.memory_space<hbm>>) target(%arg6 : memref<128x64xf32, #tpu.memory_space<vmem>>) offsets(%dma_start3A : memref<128xi32, #tpu.memory_space<vmem>>) semaphore(%arg8 : memref<!tpu.dma_semaphore, #tpu.memory_space<semaphore_mem>>)
      %dma_wait3A = tpu.memref_slice %arg5[%mul3A_8] : memref<1024xi32, #tpu.memory_space<vmem>> -> memref<128xi32, #tpu.memory_space<vmem>>
      %dma_wait3A_12 = arith.constant 0 : i32
      %dma_wait3A_13 = arith.constant 0 : i32
      %dma_wait3A_14 = tpu.memref_slice %arg2[%dma_wait3A_12, %dma_wait3A_13] : memref<1024x64xf32, #tpu.memory_space<hbm>> -> memref<1024x64xf32, #tpu.memory_space<hbm>>
      tpu.wait_indirect_dma semaphore(%arg8 : memref<!tpu.dma_semaphore, #tpu.memory_space<semaphore_mem>>) src(%dma_wait3A_14 : memref<1024x64xf32, #tpu.memory_space<hbm>>) dst(%arg6 : memref<128x64xf32, #tpu.memory_space<vmem>>)
      %scan3A_15 = arith.constant 0 : i32
      %scan3A_16 = arith.constant 0 : i32
      %scan3A_17 = arith.constant 64 : i32
      %scan3A_18 = arith.addi %scan3A_16, %scan3A_17 : i32
      %scan3A_19 = arith.constant 1 : i32
      scf.for %scan3A_23 = %scan3A_16 to %scan3A_18 step %scan3A_19  : i32 {
        %broadcast_in_dim3A = vector.broadcast %scan3A_23 : i32 to vector<16xi32>
        %add3A_24 = arith.constant 0 : i32
        %add3A_25 = vector.broadcast %add3A_24 : i32 to vector<16xi32>
        %add3A_26 = arith.addi %iota3A, %add3A_25 : vector<16xi32>
        %gather3A = tpu.vector_load_idx %arg6[%add3A_26, %broadcast_in_dim3A] : memref<128x64xf32, #tpu.memory_space<vmem>>[vector<16xi32>, vector<16xi32>], vector<16xf32>,
        %swap3A = arith.index_cast %scan3A_23 : i32 to index
        %swap3A_27 = arith.constant 0 : index
        %swap3A_28 = tpu.vector_load %arg7[%swap3A, %swap3A_27] {strides = array<i32>} : memref<64x128xf32, #tpu.memory_space<vmem>>, vector<16xf32>,
        tpu.vector_store %arg7[%swap3A, %swap3A_27], %gather3A {strides = array<i32>} : memref<64x128xf32, #tpu.memory_space<vmem>>, vector<16xf32>,
        %add3A_29 = arith.constant 16 : i32
        %add3A_30 = vector.broadcast %add3A_29 : i32 to vector<16xi32>
        %add3A_31 = arith.addi %iota3A, %add3A_30 : vector<16xi32>
        %gather3A_32 = tpu.vector_load_idx %arg6[%add3A_31, %broadcast_in_dim3A] : memref<128x64xf32, #tpu.memory_space<vmem>>[vector<16xi32>, vector<16xi32>], vector<16xf32>,
        %swap3A_33 = arith.index_cast %scan3A_23 : i32 to index
        %swap3A_34 = arith.constant 16 : index
        %swap3A_35 = tpu.vector_load %arg7[%swap3A_33, %swap3A_34] {strides = array<i32>} : memref<64x128xf32, #tpu.memory_space<vmem>>, vector<16xf32>,
        tpu.vector_store %arg7[%swap3A_33, %swap3A_34], %gather3A_32 {strides = array<i32>} : memref<64x128xf32, #tpu.memory_space<vmem>>, vector<16xf32>,
        %add3A_36 = arith.constant 32 : i32
        %add3A_37 = vector.broadcast %add3A_36 : i32 to vector<16xi32>
        %add3A_38 = arith.addi %iota3A, %add3A_37 : vector<16xi32>
        %gather3A_39 = tpu.vector_load_idx %arg6[%add3A_38, %broadcast_in_dim3A] : memref<128x64xf32, #tpu.memory_space<vmem>>[vector<16xi32>, vector<16xi32>], vector<16xf32>,
        %swap3A_40 = arith.index_cast %scan3A_23 : i32 to index
        %swap3A_41 = arith.constant 32 : index
        %swap3A_42 = tpu.vector_load %arg7[%swap3A_40, %swap3A_41] {strides = array<i32>} : memref<64x128xf32, #tpu.memory_space<vmem>>, vector<16xf32>,
        tpu.vector_store %arg7[%swap3A_40, %swap3A_41], %gather3A_39 {strides = array<i32>} : memref<64x128xf32, #tpu.memory_space<vmem>>, vector<16xf32>,
        %add3A_43 = arith.constant 48 : i32
        %add3A_44 = vector.broadcast %add3A_43 : i32 to vector<16xi32>
        %add3A_45 = arith.addi %iota3A, %add3A_44 : vector<16xi32>
        %gather3A_46 = tpu.vector_load_idx %arg6[%add3A_45, %broadcast_in_dim3A] : memref<128x64xf32, #tpu.memory_space<vmem>>[vector<16xi32>, vector<16xi32>], vector<16xf32>,
        %swap3A_47 = arith.index_cast %scan3A_23 : i32 to index
        %swap3A_48 = arith.constant 48 : index
        %swap3A_49 = tpu.vector_load %arg7[%swap3A_47, %swap3A_48] {strides = array<i32>} : memref<64x128xf32, #tpu.memory_space<vmem>>, vector<16xf32>,
        tpu.vector_store %arg7[%swap3A_47, %swap3A_48], %gather3A_46 {strides = array<i32>} : memref<64x128xf32, #tpu.memory_space<vmem>>, vector<16xf32>,
        %add3A_50 = arith.constant 64 : i32
        %add3A_51 = vector.broadcast %add3A_50 : i32 to vector<16xi32>
        %add3A_52 = arith.addi %iota3A, %add3A_51 : vector<16xi32>
        %gather3A_53 = tpu.vector_load_idx %arg6[%add3A_52, %broadcast_in_dim3A] : memref<128x64xf32, #tpu.memory_space<vmem>>[vector<16xi32>, vector<16xi32>], vector<16xf32>,
        %swap3A_54 = arith.index_cast %scan3A_23 : i32 to index
        %swap3A_55 = arith.constant 64 : index
        %swap3A_56 = tpu.vector_load %arg7[%swap3A_54, %swap3A_55] {strides = array<i32>} : memref<64x128xf32, #tpu.memory_space<vmem>>, vector<16xf32>,
        tpu.vector_store %arg7[%swap3A_54, %swap3A_55], %gather3A_53 {strides = array<i32>} : memref<64x128xf32, #tpu.memory_space<vmem>>, vector<16xf32>,
        %add3A_57 = arith.constant 80 : i32
        %add3A_58 = vector.broadcast %add3A_57 : i32 to vector<16xi32>
        %add3A_59 = arith.addi %iota3A, %add3A_58 : vector<16xi32>
        %gather3A_60 = tpu.vector_load_idx %arg6[%add3A_59, %broadcast_in_dim3A] : memref<128x64xf32, #tpu.memory_space<vmem>>[vector<16xi32>, vector<16xi32>], vector<16xf32>,
        %swap3A_61 = arith.index_cast %scan3A_23 : i32 to index
        %swap3A_62 = arith.constant 80 : index
        %swap3A_63 = tpu.vector_load %arg7[%swap3A_61, %swap3A_62] {strides = array<i32>} : memref<64x128xf32, #tpu.memory_space<vmem>>, vector<16xf32>,
        tpu.vector_store %arg7[%swap3A_61, %swap3A_62], %gather3A_60 {strides = array<i32>} : memref<64x128xf32, #tpu.memory_space<vmem>>, vector<16xf32>,
        %add3A_64 = arith.constant 96 : i32
        %add3A_65 = vector.broadcast %add3A_64 : i32 to vector<16xi32>
        %add3A_66 = arith.addi %iota3A, %add3A_65 : vector<16xi32>
        %gather3A_67 = tpu.vector_load_idx %arg6[%add3A_66, %broadcast_in_dim3A] : memref<128x64xf32, #tpu.memory_space<vmem>>[vector<16xi32>, vector<16xi32>], vector<16xf32>,
        %swap3A_68 = arith.index_cast %scan3A_23 : i32 to index
        %swap3A_69 = arith.constant 96 : index
        %swap3A_70 = tpu.vector_load %arg7[%swap3A_68, %swap3A_69] {strides = array<i32>} : memref<64x128xf32, #tpu.memory_space<vmem>>, vector<16xf32>,
        tpu.vector_store %arg7[%swap3A_68, %swap3A_69], %gather3A_67 {strides = array<i32>} : memref<64x128xf32, #tpu.memory_space<vmem>>, vector<16xf32>,
        %add3A_71 = arith.constant 112 : i32
        %add3A_72 = vector.broadcast %add3A_71 : i32 to vector<16xi32>
        %add3A_73 = arith.addi %iota3A, %add3A_72 : vector<16xi32>
        %gather3A_74 = tpu.vector_load_idx %arg6[%add3A_73, %broadcast_in_dim3A] : memref<128x64xf32, #tpu.memory_space<vmem>>[vector<16xi32>, vector<16xi32>], vector<16xf32>,
        %swap3A_75 = arith.index_cast %scan3A_23 : i32 to index
        %swap3A_76 = arith.constant 112 : index
        %swap3A_77 = tpu.vector_load %arg7[%swap3A_75, %swap3A_76] {strides = array<i32>} : memref<64x128xf32, #tpu.memory_space<vmem>>, vector<16xf32>,
        tpu.vector_store %arg7[%swap3A_75, %swap3A_76], %gather3A_74 {strides = array<i32>} : memref<64x128xf32, #tpu.memory_space<vmem>>, vector<16xf32>,
      }
      %scan3A_20 = arith.constant 64 : i32
      %mul3A_21 = arith.constant 128 : i32
      %mul3A_22 = arith.muli %scan3A_6, %mul3A_21 : i32
      "tpu.region"() ({
        %run_scoped3A_23 = tpu.sem_alloc : memref<!tpu.dma_semaphore, #tpu.memory_space<semaphore_mem>>
        %dma_start3A_24 = arith.constant 0 : i32
        %dma_start3A_25 = tpu.memref_slice %arg4[%add3A, %dma_start3A_24, %mul3A_22] : memref<32x64x1024xf32, #tpu.memory_space<hbm>> -> memref<1x64x128xf32, #tpu.memory_space<hbm>>
        %dma_start3A_26 = tpu.memref_squeeze %dma_start3A_25 : memref<1x64x128xf32, #tpu.memory_space<hbm>> -> memref<64x128xf32, #tpu.memory_space<hbm>>
        %dma_start3A_27 = arith.constant 0 : i32
        %dma_start3A_28 = tpu.memref_slice %arg4[%add3A, %dma_start3A_27, %mul3A_22] : memref<32x64x1024xf32, #tpu.memory_space<hbm>> -> memref<1x64x128xf32, #tpu.memory_space<hbm>>
        %dma_start3A_29 = tpu.memref_squeeze %dma_start3A_28 : memref<1x64x128xf32, #tpu.memory_space<hbm>> -> memref<64x128xf32, #tpu.memory_space<hbm>>
        tpu.enqueue_dma source(%arg7 : memref<64x128xf32, #tpu.memory_space<vmem>>) target(%dma_start3A_29 : memref<64x128xf32, #tpu.memory_space<hbm>>) target_semaphore(%run_scoped3A_23 : memref<!tpu.dma_semaphore, #tpu.memory_space<semaphore_mem>>)
        %dma_wait3A_30 = arith.constant 0 : i32
        %dma_wait3A_31 = tpu.memref_slice %arg4[%add3A, %dma_wait3A_30, %mul3A_22] : memref<32x64x1024xf32, #tpu.memory_space<hbm>> -> memref<1x64x128xf32, #tpu.memory_space<hbm>>
        %dma_wait3A_32 = tpu.memref_squeeze %dma_wait3A_31 : memref<1x64x128xf32, #tpu.memory_space<hbm>> -> memref<64x128xf32, #tpu.memory_space<hbm>>
        %dma_wait3A_33 = arith.constant 0 : i32
        %dma_wait3A_34 = tpu.memref_slice %arg4[%add3A, %dma_wait3A_33, %mul3A_22] : memref<32x64x1024xf32, #tpu.memory_space<hbm>> -> memref<1x64x128xf32, #tpu.memory_space<hbm>>
        %dma_wait3A_35 = tpu.memref_squeeze %dma_wait3A_34 : memref<1x64x128xf32, #tpu.memory_space<hbm>> -> memref<64x128xf32, #tpu.memory_space<hbm>>
        tpu.wait_dma2 semaphore(%run_scoped3A_23 : memref<!tpu.dma_semaphore, #tpu.memory_space<semaphore_mem>>) src(%arg7 : memref<64x128xf32, #tpu.memory_space<vmem>>) dst(%dma_wait3A_35 : memref<64x128xf32, #tpu.memory_space<hbm>>)
        tpu.yield
      }) : () -> ()
    }
    %scan3A_5 = arith.constant 8 : i32
    return
  }
}

module attributes {stable_mosaic.version = 14 : i64} {
  func.func @_vq_body(%arg0: i32, %arg1: memref<1x64x1024xf32, #tpu.memory_space<vmem>>, %arg2: memref<1024x64xf32, #tpu.memory_space<vmem>>, %arg3: memref<1x1xf32, #tpu.memory_space<smem>>, %arg4: memref<1x1x1024xi32, #tpu.memory_space<vmem>>, %arg5: memref<1x1xf32, #tpu.memory_space<smem>>, %arg6: memref<1x1024x1024xf32, #tpu.memory_space<vmem>>, %arg7: memref<1024x1xf32, #tpu.memory_space<vmem>>, %arg8: memref<1x1xf32, #tpu.memory_space<smem>>) attributes {dimension_semantics = [#tpu.dimension_semantics<arbitrary>], iteration_bounds = array<i64: 32>, scalar_prefetch = 0 : i64, scratch_operands = 2 : i64, tpu.core_type = #tpu.core_type<tc>, window_params = [{transform_indices = @transform_0, window_bounds = array<i64: 1, 64, 1024>}, {pipeline_mode = #tpu.pipeline_mode<synchronous>, transform_indices = @transform_1, window_bounds = array<i64: 1024, 64>}, {transform_indices = @transform_2, window_bounds = array<i64: 1, 1>}, {transform_indices = @transform_3, window_bounds = array<i64: 1, 1, 1024>}, {transform_indices = @transform_4, window_bounds = array<i64: 1, 1>}, {transform_indices = @transform_5, window_bounds = array<i64: 1, 1024, 1024>}]} {
    %get3A = arith.constant 0 : index
    %get3A_0 = arith.constant 0 : index
    %get3A_1 = arith.constant 0 : index
    %get3A_2 = vector.load %arg1[%get3A, %get3A_0, %get3A_1] : memref<1x64x1024xf32, #tpu.memory_space<vmem>>, vector<1x64x1024xf32>
    %get3A_3 = vector.shape_cast %get3A_2 : vector<1x64x1024xf32> to vector<64x1024xf32>
    %get3A_4 = arith.constant 0 : index
    %get3A_5 = arith.constant 0 : index
    %get3A_6 = vector.load %arg2[%get3A_4, %get3A_5] : memref<1024x64xf32, #tpu.memory_space<vmem>>, vector<1024x64xf32>
    %mul3A = arith.constant -2.000000e+00 : f32
    %mul3A_7 = vector.broadcast %mul3A : f32 to vector<1024x64xf32>
    %mul3A_8 = arith.mulf %get3A_6, %mul3A_7 : vector<1024x64xf32>
    %dot_general3A = arith.constant dense<0.000000e+00> : vector<1024x1024xf32>
    %dot_general3A_9 = tpu.matmul %mul3A_8, %get3A_3, %dot_general3A {dimension_numbers = #tpu.dot_dimension_numbers<[1], [0], [0], [1], [0, 0, 1, 1], [], []>, transpose_lhs_hint = false} : vector<1024x64xf32>, vector<64x1024xf32>, vector<1024x1024xf32> -> vector<1024x1024xf32>
    %mul3A_10 = arith.mulf %get3A_3, %get3A_3 : vector<64x1024xf32>
    %reduce_sum3A = arith.constant dense<0.000000e+00> : vector<1024xf32>
    %reduce_sum3A_11 = vector.multi_reduction <add>, %mul3A_10, %reduce_sum3A [0] : vector<64x1024xf32> to vector<1024xf32>
    %broadcast_in_dim3A = vector.shape_cast %reduce_sum3A_11 : vector<1024xf32> to vector<1x1024xf32>
    %mul3A_12 = arith.mulf %get3A_6, %get3A_6 : vector<1024x64xf32>
    %reduce_sum3A_13 = arith.constant dense<0.000000e+00> : vector<1024xf32>
    %reduce_sum3A_14 = vector.multi_reduction <add>, %mul3A_12, %reduce_sum3A_13 [1] : vector<1024x64xf32> to vector<1024xf32>
    %broadcast_in_dim3A_15 = vector.shape_cast %reduce_sum3A_14 : vector<1024xf32> to vector<1024x1xf32>
    %add3A = vector.broadcast %broadcast_in_dim3A : vector<1x1024xf32> to vector<1024x1024xf32>
    %add3A_16 = vector.broadcast %broadcast_in_dim3A_15 : vector<1024x1xf32> to vector<1024x1024xf32>
    %add3A_17 = arith.addf %add3A, %add3A_16 : vector<1024x1024xf32>
    %add3A_18 = arith.addf %add3A_17, %dot_general3A_9 : vector<1024x1024xf32>
    %argmin3A = tpu.reduce_index %add3A_18 {axis = 0 : i32, kind = #tpu.reduction_kind<arg_min>} : vector<1024x1024xf32> -> vector<1024xi32>
    %swap3A = arith.constant 0 : index
    %swap3A_19 = arith.constant 0 : index
    %swap3A_20 = arith.constant 0 : index
    %swap3A_21 = vector.load %arg4[%swap3A, %swap3A_19, %swap3A_20] : memref<1x1x1024xi32, #tpu.memory_space<vmem>>, vector<1x1x1024xi32>
    %swap3A_22 = vector.shape_cast %swap3A_21 : vector<1x1x1024xi32> to vector<1024xi32>
    %swap3A_23 = vector.shape_cast %argmin3A : vector<1024xi32> to vector<1x1x1024xi32>
    tpu.vector_store %arg4[%swap3A, %swap3A_19, %swap3A_20], %swap3A_23 {strides = array<i32>} : memref<1x1x1024xi32, #tpu.memory_space<vmem>>, vector<1x1x1024xi32>,
    %iota3A = tpu.iota {dimensions = array<i32: 0>} : vector<1024x1024xi32>
    %broadcast_in_dim3A_24 = vector.shape_cast %argmin3A : vector<1024xi32> to vector<1x1024xi32>
    %eq3A = vector.broadcast %broadcast_in_dim3A_24 : vector<1x1024xi32> to vector<1024x1024xi32>
    %eq3A_25 = arith.cmpi eq, %iota3A, %eq3A : vector<1024x1024xi32>
    %convert_element_type3A = arith.extui %eq3A_25 : vector<1024x1024xi1> to vector<1024x1024xi32>
    %convert_element_type3A_26 = arith.sitofp %convert_element_type3A : vector<1024x1024xi32> to vector<1024x1024xf32>
    %swap3A_27 = arith.constant 0 : index
    %swap3A_28 = arith.constant 0 : index
    %swap3A_29 = arith.constant 0 : index
    %swap3A_30 = vector.load %arg6[%swap3A_27, %swap3A_28, %swap3A_29] : memref<1x1024x1024xf32, #tpu.memory_space<vmem>>, vector<1x1024x1024xf32>
    %swap3A_31 = vector.shape_cast %swap3A_30 : vector<1x1024x1024xf32> to vector<1024x1024xf32>
    %swap3A_32 = vector.shape_cast %convert_element_type3A_26 : vector<1024x1024xf32> to vector<1x1024x1024xf32>
    tpu.vector_store %arg6[%swap3A_27, %swap3A_28, %swap3A_29], %swap3A_32 {strides = array<i32>} : memref<1x1024x1024xf32, #tpu.memory_space<vmem>>, vector<1x1024x1024xf32>,
    %dot_general3A_33 = arith.constant dense<0.000000e+00> : vector<64x1024xf32>
    %dot_general3A_34 = tpu.matmul %get3A_6, %convert_element_type3A_26, %dot_general3A_33 {dimension_numbers = #tpu.dot_dimension_numbers<[0], [0], [1], [1], [0, 1, 1, 1], [], []>, transpose_lhs_hint = false} : vector<1024x64xf32>, vector<1024x1024xf32>, vector<64x1024xf32> -> vector<64x1024xf32>
    %sub3A = arith.subf %dot_general3A_34, %get3A_3 : vector<64x1024xf32>
    %mul3A_35 = arith.mulf %sub3A, %sub3A : vector<64x1024xf32>
    %reduce_sum3A_36 = vector.shape_cast %mul3A_35 : vector<64x1024xf32> to vector<1x64x1024xf32>
    %reduce_sum3A_37 = arith.constant dense<0.000000e+00> : vector<1xf32>
    %reduce_sum3A_38 = vector.multi_reduction <add>, %reduce_sum3A_36, %reduce_sum3A_37 [1, 2] : vector<1x64x1024xf32> to vector<1xf32>
    %reduce_sum3A_39 = vector.shape_cast %reduce_sum3A_38 : vector<1xf32> to vector<1x1x1xf32>
    %reduce_sum3A_40 = vector.extract %reduce_sum3A_39[0, 0, 0] : f32 from vector<1x1x1xf32>
    %reduce_sum3A_41 = arith.constant dense<0.000000e+00> : vector<1024xf32>
    %reduce_sum3A_42 = vector.multi_reduction <add>, %convert_element_type3A_26, %reduce_sum3A_41 [1] : vector<1024x1024xf32> to vector<1024xf32>
    %broadcast_in_dim3A_43 = vector.shape_cast %reduce_sum3A_42 : vector<1024xf32> to vector<1024x1xf32>
    %eq3A_44 = arith.constant 0 : i32
    %eq3A_45 = arith.cmpi eq, %arg0, %eq3A_44 : i32
    %convert_element_type3A_46 = arith.extui %eq3A_45 : i1 to i32
    %cond3A = arith.constant 0 : i32
    %cond3A_47 = arith.cmpi ne, %convert_element_type3A_46, %cond3A : i32
    scf.if %cond3A_47 {
      %swap3A_57 = arith.constant 0 : index
      %swap3A_58 = arith.constant 0 : index
      %swap3A_59 = memref.load %arg8[%swap3A_57, %swap3A_58] : memref<1x1xf32, #tpu.memory_space<smem>>
      memref.store %reduce_sum3A_40, %arg8[%swap3A_57, %swap3A_58] : memref<1x1xf32, #tpu.memory_space<smem>>
      %swap3A_60 = arith.constant 0 : index
      %swap3A_61 = arith.constant 0 : index
      %swap3A_62 = vector.load %arg7[%swap3A_60, %swap3A_61] : memref<1024x1xf32, #tpu.memory_space<vmem>>, vector<1024x1xf32>
      tpu.vector_store %arg7[%swap3A_60, %swap3A_61], %broadcast_in_dim3A_43 {strides = array<i32>} : memref<1024x1xf32, #tpu.memory_space<vmem>>, vector<1024x1xf32>,
    } else {
    }
    %gt3A = arith.constant 0 : i32
    %gt3A_48 = arith.cmpi sgt, %arg0, %gt3A : i32
    %convert_element_type3A_49 = arith.extui %gt3A_48 : i1 to i32
    %cond3A_50 = arith.constant 0 : i32
    %cond3A_51 = arith.cmpi ne, %convert_element_type3A_49, %cond3A_50 : i32
    scf.if %cond3A_51 {
      %get3A_57 = arith.constant 0 : index
      %get3A_58 = arith.constant 0 : index
      %get3A_59 = memref.load %arg8[%get3A_57, %get3A_58] : memref<1x1xf32, #tpu.memory_space<smem>>
      %add3A_60 = arith.addf %get3A_59, %reduce_sum3A_40 : f32
      %swap3A_61 = arith.constant 0 : index
      %swap3A_62 = arith.constant 0 : index
      %swap3A_63 = memref.load %arg8[%swap3A_61, %swap3A_62] : memref<1x1xf32, #tpu.memory_space<smem>>
      memref.store %add3A_60, %arg8[%swap3A_61, %swap3A_62] : memref<1x1xf32, #tpu.memory_space<smem>>
      %get3A_64 = arith.constant 0 : index
      %get3A_65 = arith.constant 0 : index
      %get3A_66 = vector.load %arg7[%get3A_64, %get3A_65] : memref<1024x1xf32, #tpu.memory_space<vmem>>, vector<1024x1xf32>
      %add3A_67 = arith.addf %get3A_66, %broadcast_in_dim3A_43 : vector<1024x1xf32>
      %swap3A_68 = arith.constant 0 : index
      %swap3A_69 = arith.constant 0 : index
      %swap3A_70 = vector.load %arg7[%swap3A_68, %swap3A_69] : memref<1024x1xf32, #tpu.memory_space<vmem>>, vector<1024x1xf32>
      tpu.vector_store %arg7[%swap3A_68, %swap3A_69], %add3A_67 {strides = array<i32>} : memref<1024x1xf32, #tpu.memory_space<vmem>>, vector<1024x1xf32>,
    } else {
    }
    %eq3A_52 = arith.constant 31 : i32
    %eq3A_53 = arith.cmpi eq, %arg0, %eq3A_52 : i32
    %convert_element_type3A_54 = arith.extui %eq3A_53 : i1 to i32
    %cond3A_55 = arith.constant 0 : i32
    %cond3A_56 = arith.cmpi ne, %convert_element_type3A_54, %cond3A_55 : i32
    scf.if %cond3A_56 {
      %get3A_57 = arith.constant 0 : index
      %get3A_58 = arith.constant 0 : index
      %get3A_59 = memref.load %arg8[%get3A_57, %get3A_58] : memref<1x1xf32, #tpu.memory_space<smem>>
      %mul3A_60 = arith.constant 1.1920929E-7 : f32
      %mul3A_61 = arith.mulf %get3A_59, %mul3A_60 : f32
      %swap3A_62 = arith.constant 0 : index
      %swap3A_63 = arith.constant 0 : index
      %swap3A_64 = memref.load %arg3[%swap3A_62, %swap3A_63] : memref<1x1xf32, #tpu.memory_space<smem>>
      memref.store %mul3A_61, %arg3[%swap3A_62, %swap3A_63] : memref<1x1xf32, #tpu.memory_space<smem>>
      %get3A_65 = arith.constant 0 : index
      %get3A_66 = arith.constant 0 : index
      %get3A_67 = vector.load %arg7[%get3A_65, %get3A_66] : memref<1024x1xf32, #tpu.memory_space<vmem>>, vector<1024x1xf32>
      %mul3A_68 = arith.constant 3.05175781E-5 : f32
      %mul3A_69 = vector.broadcast %mul3A_68 : f32 to vector<1024x1xf32>
      %mul3A_70 = arith.mulf %get3A_67, %mul3A_69 : vector<1024x1xf32>
      %add3A_71 = arith.constant 1.000000e-10 : f32
      %add3A_72 = vector.broadcast %add3A_71 : f32 to vector<1024x1xf32>
      %add3A_73 = arith.addf %mul3A_70, %add3A_72 : vector<1024x1xf32>
      %log3A = math.log %add3A_73 : vector<1024x1xf32>
      %mul3A_74 = arith.mulf %mul3A_70, %log3A : vector<1024x1xf32>
      %reduce_sum3A_75 = vector.shape_cast %mul3A_74 : vector<1024x1xf32> to vector<1x1024x1xf32>
      %reduce_sum3A_76 = arith.constant dense<0.000000e+00> : vector<1xf32>
      %reduce_sum3A_77 = vector.multi_reduction <add>, %reduce_sum3A_75, %reduce_sum3A_76 [1, 2] : vector<1x1024x1xf32> to vector<1xf32>
      %reduce_sum3A_78 = vector.shape_cast %reduce_sum3A_77 : vector<1xf32> to vector<1x1x1xf32>
      %reduce_sum3A_79 = vector.extract %reduce_sum3A_78[0, 0, 0] : f32 from vector<1x1x1xf32>
      %neg3A = arith.constant 0.000000e+00 : f32
      %neg3A_80 = arith.subf %neg3A, %reduce_sum3A_79 : f32
      %exp3A = math.exp %neg3A_80 : f32
      %swap3A_81 = arith.constant 0 : index
      %swap3A_82 = arith.constant 0 : index
      %swap3A_83 = memref.load %arg5[%swap3A_81, %swap3A_82] : memref<1x1xf32, #tpu.memory_space<smem>>
      memref.store %exp3A, %arg5[%swap3A_81, %swap3A_82] : memref<1x1xf32, #tpu.memory_space<smem>>
    } else {
    }
    return
  }
  func.func @transform_0(%arg0: i32) -> (i32, i32, i32) {
    %c0_i32 = arith.constant 0 : i32
    %c0_i32_0 = arith.constant 0 : i32
    %c0_i32_1 = arith.constant 0 : i32
    return %arg0, %c0_i32, %c0_i32_0 : i32, i32, i32
  }
  func.func @transform_1(%arg0: i32) -> (i32, i32) {
    %c0_i32 = arith.constant 0 : i32
    %c0_i32_0 = arith.constant 0 : i32
    %c0_i32_1 = arith.constant 0 : i32
    return %c0_i32, %c0_i32_0 : i32, i32
  }
  func.func @transform_2(%arg0: i32) -> (i32, i32) {
    %c0_i32 = arith.constant 0 : i32
    %c0_i32_0 = arith.constant 0 : i32
    %c0_i32_1 = arith.constant 0 : i32
    return %c0_i32, %c0_i32_0 : i32, i32
  }
  func.func @transform_3(%arg0: i32) -> (i32, i32, i32) {
    %c0_i32 = arith.constant 0 : i32
    %c0_i32_0 = arith.constant 0 : i32
    %c0_i32_1 = arith.constant 0 : i32
    return %arg0, %c0_i32, %c0_i32_0 : i32, i32, i32
  }
  func.func @transform_4(%arg0: i32) -> (i32, i32) {
    %c0_i32 = arith.constant 0 : i32
    %c0_i32_0 = arith.constant 0 : i32
    %c0_i32_1 = arith.constant 0 : i32
    return %c0_i32, %c0_i32_0 : i32, i32
  }
  func.func @transform_5(%arg0: i32) -> (i32, i32, i32) {
    %c0_i32 = arith.constant 0 : i32
    %c0_i32_0 = arith.constant 0 : i32
    %c0_i32_1 = arith.constant 0 : i32
    return %arg0, %c0_i32, %c0_i32_0 : i32, i32, i32
  }
}

</mosaic_0001>

<sc_bundles>
// kernel: kernel.4.cloned.1.call-start
scs
__scs_entry_jumppad:
0x0: {  	(pc) =	sbr.rel $0x88, $3  }
0x1: {  	(tag) =	ssettag $0x0;
	lr =	simm.s32 $0x1  }
0x2: {  	[smem:$0x3F9F] =	sst lr;
	_ =	strace $0xD0000000  }
0x3: {  	_ = 	snop  }
0x4: {  	_ = 	snop  }
0x5: {  	_ = 	snop  }
0x6: {  	_ = 	snop  }
0x7: {  	_ = 	snop  }
__scs_overlays_trampoline_lowered:
0x8: {  	[smem:$0x3FAE] =	sst s0  }
0x9: {  	[smem:$0x3FAF] =	sst s1  }
0xa: {  	[smem:$0x3FB0] =	sst s2  }
0xb: {  	[smem:$0x3FB1] =	sst s3  }
0xc: {  	[smem:$0x3FB2] =	sst s4  }
0xd: {  	[smem:$0x3FB3] =	sst s5  }
0xe: {  	[smem:$0x3FB4] =	sst s6  }
0xf: {  	[smem:$0x3FB5] =	sst s7  }
0x10: {  	[smem:$0x3FB6] =	sst s8  }
0x11: {  	[smem:$0x3FB7] =	sst s9;
	s0 =	simm.s32 @!p0 $0x0  }
0x12: {  	s1 =	sld [smem:$0x3F9D];
	s0 =	simm.s32 @p0 $0x1  }
0x13: {  	[smem:$0x3FB8] =	sst s0;
	s0 =	simm.s32 @!p1 $0x0  }
0x14: {  	s2 =	sld [smem:$0x3F9C];
	s0 =	simm.s32 @p1 $0x1  }
0x15: {  	[smem:$0x3FB9] =	sst s0;
	s0 =	simm.s32 @!p2 $0x0  }
0x16: {  	s3 =	sld [smem:$0x3FDB];
	s0 =	simm.s32 @p2 $0x1  }
0x17: {  	s4 =	simm.s32 $0x1BF5;
	[smem:$0x3FBB] =	sst s0  }
0x18: {  	s0 =	sld [smem:$0x3F9E];
	_ =	swait.ge [sflag:s4], $0x0  }
0x19: {  	s7 =	sld [smem:$0x3F9F]  }
0x1a: {  	s8 =	sadd.s32 $0xFFFFE003, lr  }
0x1b: {  	s9 =	sadd.s32 $0xFFFFFEF7, lr;
	s5 =	simm.s32 $0xFFFFFFFF;
	p2 =	slt.u32 s8, $0xFFFFF086  }
0x1c: {  	p1 =	slt.u32 s9, $0xF7A;
	s5 =	simm.s32 @!p2 $0x0  }
0x1d: {  	s5 =	simm.s32 @p1 $0x1;
	p0 =	seq.s32 s7, s2  }
0x1e: {  	s7 =	smul.u32 @!p0 $0xF7A, s2;
	p2 =	seq.s32 @!p0 s5, $0x0  }
0x1f: {  	s9 =	smul.u32 $0xF7A, s1;
	s8 =	simm.s32 @!p0 $0x1BF5;
	p2 =	por !p2, p0  }
0x20: {  	[sflag:s8] =	ssyncset.s32 @!p0 $0xFFFFF086;
	s6 =	sadd.s32 @!p0 s3, s7;
	s7 =	simm.s32 @!p0 $0x108  }
0x21: {  	s3 =	sadd.s32 s3, s9;
	s6 =	sadd.s32 @!p0 $0x88, s6;
	s7 =	simm.s32 @p2 $0x1082  }
0x22: {  	[simem:s7], [sflag:s8] =	dma.local @!p0 [hbm:s6], $0xF7A  }
0x23: {  	s9 =	sor.u32 $0xD0000000, s2;
	s6 =	simm.s32 $0x108;
	_ =	swait.ge @!p0 [sflag:s8], $0x0  }
0x24: {  	s3 =	sadd.s32 $0x88, s3;
	s6 =	simm.s32 @!p1 $0x1082;
	[sflag:s4] =	ssyncset.s32 $0xFFFFF086  }
0x25: {  	[simem:s6], [sflag:s4] =	dma.local [hbm:s3], $0xF7A  }
0x26: {  	[smem:$0x3F9F] =	sst s1;
	(tag) =	ssettag s2;
	_ =	strace s9  }
0x27: {  	s1 =	sld [smem:$0x3FAF]  }
0x28: {  	s2 =	sld [smem:$0x3FB0]  }
0x29: {  	s4 =	sld [smem:$0x3FB2]  }
0x2a: {  	p0 =	seq.s32 s5, $0x0;
	s5 =	sld [smem:$0x3FB3]  }
0x2b: {  	s6 =	sld [smem:$0x3FB4]  }
0x2c: {  	s7 =	sld [smem:$0x3FB5]  }
0x2d: {  	s3 =	simm.s32 $0x108;
	s8 =	sld [smem:$0x3FB6]  }
0x2e: {  	s3 =	simm.s32 @!p0 $0x1082;
	s9 =	sld [smem:$0x3FB7]  }
0x2f: {  	lr =	sadd.s32 s0, s3;
	s0 =	sld [smem:$0x3FAE]  }
0x30: {  	s3 =	sld [smem:$0x3FB1]  }
0x31: {  	[smem:$0x3FBA] =	sst s10  }
0x32: {  	s10 =	sld [smem:$0x3FB8];
	_ =	sdelay $0x3  }
0x33: {  	p0 =	seq.s32 s10, $0x1;
	s10 =	sld [smem:$0x3FBA];
	_ =	sdelay $0x3  }
0x34: {  	[smem:$0x3FBA] =	sst s10  }
0x35: {  	s10 =	sld [smem:$0x3FB9];
	_ =	sdelay $0x3  }
0x36: {  	p1 =	seq.s32 s10, $0x1;
	s10 =	sld [smem:$0x3FBA];
	_ =	sdelay $0x3  }
0x37: {  	[smem:$0x3FBA] =	sst s10  }
0x38: {  	s10 =	sld [smem:$0x3FBB]  }
0x39: {  	_ = 	snop;
	(pc) =	sbr.ind lr, $3  }
0x3a: {  	_ = 	snop  }
0x3b: {  	_ = 	snop  }
0x3c: {  	p2 =	seq.s32 s10, $0x1;
	s10 =	sld [smem:$0x3FBA]  }
0x3d: {  	_ =	shalt  }
0x3e: {  	_ =	shalt  }
0x3f: {  	_ =	shalt  }
0x40: {  	_ =	shalt  }
0x41: {  	_ =	shalt  }
0x42: {  	_ =	shalt  }
0x43: {  	_ =	shalt  }
0x44: {  	_ =	shalt  }
0x45: {  	_ =	shalt  }
0x46: {  	_ =	shalt  }
0x47: {  	_ =	shalt  }
0x48: {  	_ =	shalt  }
0x49: {  	_ =	shalt  }
0x4a: {  	_ =	shalt  }
0x4b: {  	_ =	shalt  }
0x4c: {  	_ =	shalt  }
0x4d: {  	_ =	shalt  }
0x4e: {  	_ =	shalt  }
0x4f: {  	_ =	shalt  }
0x50: {  	_ =	shalt  }
0x51: {  	_ =	shalt  }
0x52: {  	_ =	shalt  }
0x53: {  	_ =	shalt  }
0x54: {  	_ =	shalt  }
0x55: {  	_ =	shalt  }
0x56: {  	_ =	shalt  }
0x57: {  	_ =	shalt  }
0x58: {  	_ =	shalt  }
0x59: {  	_ =	shalt  }
0x5a: {  	_ =	shalt  }
0x5b: {  	_ =	shalt  }
0x5c: {  	_ =	shalt  }
0x5d: {  	_ =	shalt  }
0x5e: {  	_ =	shalt  }
0x5f: {  	_ =	shalt  }
0x60: {  	_ =	shalt  }
0x61: {  	_ =	shalt  }
0x62: {  	_ =	shalt  }
0x63: {  	_ =	shalt  }
0x64: {  	_ =	shalt  }
0x65: {  	_ =	shalt  }
0x66: {  	_ =	shalt  }
0x67: {  	_ =	shalt  }
0x68: {  	_ =	shalt  }
0x69: {  	_ =	shalt  }
0x6a: {  	_ =	shalt  }
0x6b: {  	_ =	shalt  }
0x6c: {  	_ =	shalt  }
0x6d: {  	_ =	shalt  }
0x6e: {  	_ =	shalt  }
0x6f: {  	_ =	shalt  }
0x70: {  	_ =	shalt  }
0x71: {  	_ =	shalt  }
0x72: {  	_ =	shalt  }
0x73: {  	_ =	shalt  }
0x74: {  	_ =	shalt  }
0x75: {  	_ =	shalt  }
0x76: {  	_ =	shalt  }
0x77: {  	_ =	shalt  }
0x78: {  	_ =	shalt  }
0x79: {  	_ =	shalt  }
0x7a: {  	_ =	shalt  }
0x7b: {  	_ =	shalt  }
0x7c: {  	_ =	shalt  }
0x7d: {  	_ =	shalt  }
0x7e: {  	_ =	shalt  }
0x7f: {  	_ =	shalt  }
0x80: {  	_ =	shalt  }
0x81: {  	_ =	shalt  }
0x82: {  	_ =	shalt  }
0x83: {  	_ =	shalt  }
0x84: {  	_ =	shalt  }
0x85: {  	_ =	shalt  }
0x86: {  	_ =	shalt  }
0x87: {  	_ =	shalt  }
.Lfunc_end0:
.L_simem_size_0:
called_computation_lowered:
.L_overlay_start_0:
0x88: {  	s2 =	sld [smem:$0x3FD9]  }
0x89: {  	s3 =	sld [smem:$0x3FFE];
	_ =	sdelay $0x1  }
0x8a: {  	s1 =	srdreg.scid  }
0x8b: {  	s0 =	sand.u32 $0x1, s1  }
0x8c: {  	s14 =	sshll.u32 s0, $0xA;
	s2 =	sadd.s32 s3, s2  }
0x8d: {  	s2 =	sadd.s32 s2, s14  }
0x8e: {  	[smem:$0x3FC6] =	sst s2  }
0x8f: {  	_ = 	snop  }
0x90: {  	s2 =	sld [smem:$0x3FD0];
	_ =	sdelay $0x2  }
0x91: {  	s15 =	simm.s32 $0xA;
	s4 =	simm.s32 $0x10  }
0x92: {  	[smem:s4], [sflag:s15] =	dma.local [hbm:s2], $0x1  }
0x93: {  	_ =	swait.eq [sflag:s15], $0x1  }
0x94: {  	[sflag:s15] =	ssyncset.done $0x0  }
0x95: {  	[sflag:s15] =	ssyncadd.s32 $0xFFFFFFFF  }
0x96: {  	s16 =	sld [smem:$0x11];
	(tm) =	ssettm $0x1  }
0x97: {  	s17 =	sld [smem:$0x3FFB];
	_ =	sdelay $0x3  }
0x98: {  	_ =	strace s17  }
0x99: {  	s3 =	sld [smem:$0x3FFC];
	_ =	sdelay $0x3  }
0x9a: {  	_ =	strace s3  }
0x9b: {  	s3 =	sld [smem:$0x3FFD];
	_ =	sdelay $0x3  }
0x9c: {  	_ =	strace s3  }
0x9d: {  	_ =	strace $0x8FFFFFFF  }
0x9e: {  	s18 =	sld [smem:$0x3FDB];
	_ =	sdelay $0x1  }
0x9f: {  	s19 =	simm.s32 $_scs_section_size  }
0xa0: {  	s5 =	simm.s32 $_size__tile_overlayer_lowered;
	s6 =	simm.s32 $_tile_overlayer_lowered  }
0xa1: {  	s22 =	simm.s32 $0x1BFF;
	s21 =	sshll.u32 s6, $0x1;
	s3 =	sadd.s32 s19, s18  }
0xa2: {  	s7 =	simm.s32 $0x0;
	s20 =	sshll.u32 s5, $0x1;
	s5 =	sadd.s32 s21, s3  }
0xa3: {  	[timem:s7], [sflag:s22] =	dma.local [hbm:s5], s20  }
0xa4: {  	_ =	swait.ge [sflag:s22], s20  }
0xa5: {  	s4 =	ssub.s32 $0x0, s20;
	[sflag:s22] =	ssyncset.done $0x0  }
0xa6: {  	[sflag:s22] =	ssyncadd.s32 s4;
	_ =	sdelay $0x1  }
0xa7: {  	s23 =	simm.s32 $0x1B8B  }
0xa8: {  	_ =	swait.ge [sflag:s23], $0x1  }
0xa9: {  	[sflag:s23] =	ssyncset.done $0x0  }
0xaa: {  	s25 =	simm.s32 $0x1B8E;
	s24 =	sld [smem:$0x3FFE];
	[sflag:s23] =	ssyncadd.s32 $0xFFFFFFFF  }
0xab: {  	s26 =	simm.s32 $execute0_lowered;
	[smem:$0x3FD2] =	sst s25  }
0xac: {  	s5 =	sshll.u32 s26, $0x1;
	_ =	strace $0x80000046;
	[dreg:$0x1] =	wrdreg $0xFFFFFFFF  }
0xad: {  	s28 =	simm.s32 $_size_execute0_lowered;
	s3 =	sadd.s32 s3, s5;
	[dreg:$0x0] =	wrdreg $0x0  }
0xae: {  	s5 =	sshll.u32 s28, $0x1;
	[dreg:$0x2] =	wrdreg s3  }
0xaf: {  	[dreg:$0x3] =	wrdreg s5  }
0xb0: {  	[dreg:$0x4] =	wrdreg $0xC0  }
0xb1: {  	_ =	task [dreg:s7], $0x5FFFF  }
0xb2: {  	[dreg:$0x1] =	wrdreg $0xFFFFFFFF  }
0xb3: {  	[dreg:$0x0] =	wrdreg $0x60  }
0xb4: {  	[dreg:$0x2] =	wrdreg s16  }
0xb5: {  	[dreg:$0x3] =	wrdreg s24  }
0xb6: {  	[dreg:$0x4] =	wrdreg $0x9  }
0xb7: {  	_ =	task.clear_ibuf [dreg:s7], $0x5FFFF;
	_ =	strace $0x90000046  }
0xb8: {  	s29 =	simm.s32 $0x9;
	_ =	strace $0x80000048  }
0xb9: {  	_ =	swait.ge [sflag:s29], $0x1  }
0xba: {  	[sflag:s29] =	ssyncadd.s32 $0xFFFFFFFF  }
0xbb: {  	_ =	strace $0x90000048  }
0xbc: {  	_ =	sfence  }
0xbd: {  	s30 =	sld [smem:$0x0];
	_ =	sdelay $0x2  }
0xbe: {  	s31 =	sshll.u32 s1, $0xD;
	s1 =	sshrl.u32 s1, $0x2  }
0xbf: {  	s3 =	sand.u32 $0x4000, s31;
	s1 =	sadd.s32 s1, s30  }
0xc0: {  	s0 =	sor.u32 s3, s0;
	s1 =	sshll.u32 s1, $0x11  }
0xc1: {  	s0 =	sor.u32 s1, s0  }
0xc2: {  	s0 =	sadd.s32 $0x8F2B, s0  }
0xc3: {  	[sflag:s0] =	ssyncadd.remote.s32 $0x1  }
0xc4: {  	_ =	sfence.sel $0xFFFF  }
0xc5: {  	[dreg:$0x0] =	wrdreg $0xFFFFFFFF;
	(pc) =	sbr.abs _section_cstart, $3  }
0xc6: {  	[dreg:$0x1] =	wrdreg $0xFFFFFFFF  }
0xc7: {  	_ =	task.clear_ibuf [dreg:s7], $0x2FFFF;
	_ =	strace $0x9FFFFFFF  }
0xc8: {  	(tm) =	ssettm $0x7FFFFFFF  }
0xc9: {  	_ =	shalt  }
tec
execute0_lowered:
.L_overlay_start_1:
0x0: {  	(tag) =	ssettag $0x1  }
0x1: {  	s2 =	rddreg [dreg:$0x0]  }
0x2: {  	s4 =	rddreg [dreg:$0x1]  }
0x3: {  	s0 =	rddreg [dreg:$0x2]  }
0x4: {  	s5 =	srdreg.scid;
	s1 =	stileid.u32  }
0x5: {  	s3 =	simm.s32 $0x0;
	s9 =	simm.s32 $0x80;
	s10 =	simm.s32 $0x400  }
0x6: {  	v0 =	vlaneseq.u32;
	s11 =	simm.s32 $0x1;
	s12 =	simm.s32 $0x2400;
	s13 =	simm.s32 $0x0  }
0x7: {  	s5 =	sand.u32 $0x1, s5;
	s6 =	sshll.u32 s1, $0x1;
	[smem:$0x7FF] =	sst s3;
	v0 =	vmul.u32 $0x40, v0  }
0x8: {  	s6 =	sor.u32 s5, s6;
	s5 =	ssub.s32 $0x2, s5;
	_ =	strace $0x80000047  }
0x9: {  	s7 =	sshll.u32 s6, $0x7;
	s8 =	sshrl.u32 s5, $0x1;
	s6 =	sshll.u32 s6, $0x10;
	v1 =	vor.u32 $0x400, v0  }
0xa: {  	v2 =	vor.u32 $0x800, v0;
	v3 =	vor.u32 $0xC00, v0;
	v4 =	vor.u32 $0x1000, v0;
	s7 =	sadd.s32 s7, s4;
	s4 =	sadd.s32 $0x1A00, s4;
	s8 =	ssub.s32 s5, s8  }
0xb: {  	v5 =	vor.u32 $0x1400, v0;
	v6 =	vor.u32 $0x1800, v0;
	v7 =	vor.u32 $0x1C00, v0;
	s5 =	sadd.s32 $0xA00, s7;
	s7 =	smax.u32 s8, $0x1;
	s8 =	simm.s32 $0x2  }
.LBB2_1:
0xc: {  	[tilespmem:s3], [sflag:$0x2] =	stream.linear.gather [hbm4b:s5+s3], $0x400, $0x38;
	[tilespmem:$0x4400] =	vst v63  }
0xd: {  	_ =	swait.ge [sflag:s8], $0x400  }
0xe: {  	[sflag:s8] =	ssyncset.done $0x0  }
0xf: {  	s14 =	simm.s32 $0x0;
	[sflag:s8] =	ssyncadd.s32 $0xFFFFFC00  }
.LBB2_2:
0x10: {  	s15 =	simm.s32 $0x0  }
0x11: {  	v8 =	vmov s15  }
0x12: {  	v8 =	vand.u32 $0x3F, v8  }
0x13: {  	v8 =	vbroadcast v8, $0x0;
	_ =	sdelay $0x1  }
0x14: {  	s15 =	sshll.u32 s14, $0x7;
	v9 =	vor.u32 v0, v8  }
0x15: {  	[tilespmem:s10], [sflag:$0x1] =	stream.indirect.gather [hbm4b:s2+s9], $0x40, s15, s9, $0xb8;
	[tilespmem:$0x4400] =	vst v63  }
0x16: {  	_ =	swait.ge [sflag:s11], $0x2000  }
0x17: {  	[sflag:s11] =	ssyncset.done $0x0  }
0x18: {  	[sflag:s11] =	ssyncadd.s32 $0xFFFFE000  }
0x19: {  	v9 =	vld.idx.msk [tilespmem:v9+s10+$0x0], $0xffff  }
0x1a: {  	v10 =	vor.u32 v1, v8;
	_ =	sdelay $0x2  }
0x1b: {  	s16 =	simm.s32 $0x2440  }
0x1c: {  	[tilespmem:s16+$0xFFFFFFC0] =	vst v9  }
0x1d: {  	v9 =	vld.idx.msk [tilespmem:v10+s10+$0x0], $0xffff  }
0x1e: {  	v10 =	vor.u32 v2, v8;
	_ =	sdelay $0x3  }
0x1f: {  	[tilespmem:s16+$0xFFFFFFD0] =	vst v9  }
0x20: {  	v9 =	vld.idx.msk [tilespmem:v10+s10+$0x0], $0xffff  }
0x21: {  	v10 =	vor.u32 v3, v8;
	_ =	sdelay $0x3  }
0x22: {  	[tilespmem:s16+$0xFFFFFFE0] =	vst v9  }
0x23: {  	v9 =	vld.idx.msk [tilespmem:v10+s10+$0x0], $0xffff  }
0x24: {  	v10 =	vor.u32 v4, v8;
	_ =	sdelay $0x3  }
0x25: {  	[tilespmem:s16+$0xFFFFFFF0] =	vst v9  }
0x26: {  	v9 =	vld.idx.msk [tilespmem:v10+s10+$0x0], $0xffff  }
0x27: {  	v10 =	vor.u32 v5, v8;
	_ =	sdelay $0x3  }
0x28: {  	[tilespmem:s16+$0x0] =	vst v9  }
0x29: {  	v9 =	vld.idx.msk [tilespmem:v10+s10+$0x0], $0xffff  }
0x2a: {  	v10 =	vor.u32 v6, v8;
	_ =	sdelay $0x3  }
0x2b: {  	[tilespmem:s16+$0x10] =	vst v9  }
0x2c: {  	v9 =	vld.idx.msk [tilespmem:v10+s10+$0x0], $0xffff  }
0x2d: {  	v8 =	vor.u32 v7, v8;
	_ =	sdelay $0x1  }
0x2e: {  	s17 =	simm.s32 $0x1  }
0x2f: {  	v10 =	vmov s17;
	s17 =	simm.s32 $0x2  }
.LBB2_3:
0x30: {  	p0 =	sne.s32 s17, $0x3F;
	v10 =	vand.u32 $0x3F, v10;
	[tilespmem:s16+$0x20] =	vst v9  }
0x31: {  	v10 =	vbroadcast v10, $0x0;
	v8 =	vld.idx.msk [tilespmem:v8+s10+$0x0], $0xffff;
	_ =	sdelay $0x1  }
0x32: {  	v9 =	vor.u32 v0, v10;
	_ =	sdelay $0x3  }
0x33: {  	[tilespmem:s16+$0x30] =	vst v8  }
0x34: {  	v8 =	vld.idx.msk [tilespmem:v9+s10+$0x0], $0xffff;
	_ =	sdelay $0x1  }
0x35: {  	v9 =	vor.u32 v1, v10;
	_ =	sdelay $0x2  }
0x36: {  	s16 =	sadd.s32 $0x80, s16  }
0x37: {  	[tilespmem:s16+$0xFFFFFFC0] =	vst v8  }
0x38: {  	v8 =	vld.idx.msk [tilespmem:v9+s10+$0x0], $0xffff;
	_ =	sdelay $0x1  }
0x39: {  	v9 =	vor.u32 v2, v10;
	_ =	sdelay $0x3  }
0x3a: {  	[tilespmem:s16+$0xFFFFFFD0] =	vst v8  }
0x3b: {  	v8 =	vld.idx.msk [tilespmem:v9+s10+$0x0], $0xffff;
	_ =	sdelay $0x1  }
0x3c: {  	v9 =	vor.u32 v3, v10;
	_ =	sdelay $0x3  }
0x3d: {  	[tilespmem:s16+$0xFFFFFFE0] =	vst v8  }
0x3e: {  	v8 =	vld.idx.msk [tilespmem:v9+s10+$0x0], $0xffff;
	_ =	sdelay $0x1  }
0x3f: {  	v9 =	vor.u32 v4, v10;
	_ =	sdelay $0x3  }
0x40: {  	[tilespmem:s16+$0xFFFFFFF0] =	vst v8  }
0x41: {  	v8 =	vld.idx.msk [tilespmem:v9+s10+$0x0], $0xffff;
	_ =	sdelay $0x1  }
0x42: {  	v9 =	vor.u32 v5, v10;
	_ =	sdelay $0x3  }
0x43: {  	[tilespmem:s16+$0x0] =	vst v8  }
0x44: {  	v8 =	vld.idx.msk [tilespmem:v9+s10+$0x0], $0xffff;
	_ =	sdelay $0x1  }
0x45: {  	v9 =	vor.u32 v6, v10;
	_ =	sdelay $0x3  }
0x46: {  	[tilespmem:s16+$0x10] =	vst v8  }
0x47: {  	v9 =	vld.idx.msk [tilespmem:v9+s10+$0x0], $0xffff  }
.Ltmp0:
0x48: {  	(pc) =	sbr.rel @p0 .LBB2_3-.Ltmp0, $2  }
0x49: {  	v8 =	vor.u32 v7, v10;
	_ =	sdelay $0x2  }
0x4a: {  	v10 =	vmov s17;
	s17 =	sadd.s32 $0x1, s17  }
0x4b: {  	_ =	sdelay $0x1  }
0x4c: {  	v10 =	vand.u32 $0x3F, v10  }
0x4d: {  	[tilespmem:s16+$0x20] =	vst v9;
	v57 =	vbroadcast v10, $0x0  }
0x4e: {  	v8 =	vld.idx.msk [tilespmem:v8+s10+$0x0], $0xffff  }
0x4f: {  	v10 =	vor.u32 v0, v57;
	_ =	sdelay $0x3  }
0x50: {  	[tilespmem:s16+$0x30] =	vst v8  }
0x51: {  	v8 =	vld.idx.msk [tilespmem:v10+s10+$0x0], $0xffff  }
0x52: {  	v58 =	vor.u32 v1, v57;
	_ =	sdelay $0x2  }
0x53: {  	s31 =	sadd.s32 $0x80, s16  }
0x54: {  	[tilespmem:s31+$0xFFFFFFC0] =	vst v8  }
0x55: {  	v8 =	vld.idx.msk [tilespmem:v58+s10+$0x0], $0xffff  }
0x56: {  	v59 =	vor.u32 v2, v57;
	_ =	sdelay $0x3  }
0x57: {  	[tilespmem:s31+$0xFFFFFFD0] =	vst v8  }
0x58: {  	v8 =	vld.idx.msk [tilespmem:v59+s10+$0x0], $0xffff  }
0x59: {  	v60 =	vor.u32 v3, v57;
	_ =	sdelay $0x3  }
0x5a: {  	[tilespmem:s31+$0xFFFFFFE0] =	vst v8  }
0x5b: {  	v8 =	vld.idx.msk [tilespmem:v60+s10+$0x0], $0xffff  }
0x5c: {  	v61 =	vor.u32 v4, v57;
	_ =	sdelay $0x3  }
0x5d: {  	[tilespmem:s31+$0xFFFFFFF0] =	vst v8  }
0x5e: {  	v8 =	vld.idx.msk [tilespmem:v61+s10+$0x0], $0xffff  }
0x5f: {  	v62 =	vor.u32 v5, v57;
	_ =	sdelay $0x3  }
0x60: {  	[tilespmem:s31+$0x0] =	vst v8  }
0x61: {  	v8 =	vld.idx.msk [tilespmem:v62+s10+$0x0], $0xffff  }
0x62: {  	v63 =	vor.u32 v6, v57;
	_ =	sdelay $0x3  }
0x63: {  	[tilespmem:s31+$0x10] =	vst v8  }
0x64: {  	v8 =	vld.idx.msk [tilespmem:v63+s10+$0x0], $0xffff  }
0x65: {  	v9 =	vor.u32 v7, v57;
	_ =	sdelay $0x3  }
0x66: {  	[tilespmem:s31+$0x20] =	vst v8  }
0x67: {  	v8 =	vld.idx.msk [tilespmem:v9+s10+$0x0], $0xffff;
	_ =	sdelay $0x2  }
0x68: {  	s15 =	sadd.s32 s6, s15;
	s14 =	sadd.s32 $0x1, s14  }
0x69: {  	s15 =	sshrl.u32 s15, $0x3;
	p0 =	sne.s32 s14, $0x8  }
.Ltmp1:
0x6a: {  	s15 =	sadd.s32 s4, s15;
	[tilespmem:s31+$0x30] =	vst v8;
	(pc) =	sbr.rel @p0 .LBB2_2-.Ltmp1, $4  }
0x6b: {  	[hbm4b:s15+s9] =	stream.strided.scatter [tilespmem:s12], [sflag:$0x2], $0x2000, s10, s9, $0x38;
	[tilespmem:$0x4400] =	vst v63  }
0x6c: {  	_ =	swait.ge [sflag:s8], $0x2000  }
0x6d: {  	[sflag:s8] =	ssyncset.done $0x0  }
0x6e: {  	[sflag:s8] =	ssyncadd.s32 $0xFFFFE000  }
0x6f: {  	s13 =	sadd.s32 $0x1, s13  }
0x70: {  	p0 =	sne.s32 s13, s7  }
.Ltmp2:
0x71: {  	_ = 	snop;
	(pc) =	sbr.rel @p0 .LBB2_1-.Ltmp2, $1  }
0x72: {  	_ =	sdelay $0x3  }
0x73: {  	_ =	sfence.sel $0x180000  }
0x74: {  	[bflag:$0x0] =	sbarrier.arrive $0xFFFF  }
0x75: {  	p0 =	sne.s32 s1, $0x0;
	_ =	strace $0x90000047  }
0x76: {  	s0 =	sadd.s32 @!p0 $0x100000, s0;
	[bflag:$0x2] =	sbarrier.arrive $0xFFFF  }
0x77: {  	[sflag:s0] =	ssyncadd.tile.s32 @!p0 $0x1;
	_ =	shalt  }
.Lfunc_end2:
_tile_overlayer_lowered:
.L_overlay_start_2:
0x78: {  	(tag) =	ssettag $0x2  }
0x79: {  	s0 =	rddreg [dreg:$0x0];
	s2 =	stileid.u32  }
0x7a: {  	s1 =	rddreg [dreg:$0x1];
	p0 =	sne.s32 s2, $0x0  }
0x7b: {  	s3 =	rddreg [dreg:$0x2];
	[bflag:$0x3] =	sbarrier.arrive $0xFFFF;
	s2 =	simm.s32 @!p0 $0x1C02  }
0x7c: {  	[timem:s3], [sflag:s2] =	dma.local @!p0 [hbm:s0], s1  }
0x7d: {  	s0 =	simm.s32 @!p0 $0x2  }
0x7e: {  	_ =	swait.ge @!p0 [sflag:s0], s1  }
0x7f: {  	s1 =	ssub.s32 @!p0 $0x0, s1;
	[sflag:s0] =	ssyncset.done @!p0 $0x0  }
0x80: {  	[sflag:s0] =	ssyncadd.s32 @!p0 s1  }
0x81: {  	[bflag:$0x3] =	sbarrier.arrive $0xFFFF  }
0x82: {  	_ =	shalt  }

</sc_bundles>
